<compile_context>
chip_gen: v7x
topology: tpu7x:2x2x1
jax: 0.10.2.dev20260603
libtpu: 0.0.44.dev20260713+nightly
codegen_flags: <defaults>
</compile_context>

<pallas_src>
import functools

import jax
import jax.numpy as jnp
from jax import lax
from jax.experimental import pallas as pl
from jax.experimental.pallas import tpu as pltpu
from jax.experimental.pallas import tpu_sc as plsc

TOPK = 100
QVT_L2_WEIGHT = 0.001


def _sc_gather(Q_all, V_all, slicer, negative_slicer):
    info = plsc.get_sparse_core_info()
    nc, ns = info.num_cores, info.num_subcores
    nw = nc * ns
    n = slicer.shape[0]
    d = Q_all.shape[1]
    rpw = n // nw
    mesh = plsc.VectorSubcoreMesh(core_axis_name="c", subcore_axis_name="s")

    @functools.partial(
        pl.kernel,
        mesh=mesh,
        out_type=[jax.ShapeDtypeStruct((n, d), jnp.float32)] * 3,
        scratch_types=[
            pltpu.VMEM((rpw,), jnp.int32),
            pltpu.VMEM((rpw,), jnp.int32),
            pltpu.VMEM((rpw, d), jnp.float32),
            pltpu.VMEM((rpw, d), jnp.float32),
            pltpu.VMEM((rpw, d), jnp.float32),
            pltpu.SemaphoreType.DMA,
            pltpu.SemaphoreType.DMA,
            pltpu.SemaphoreType.DMA,
        ],
    )
    def gather_kernel(q_hbm, v_hbm, sl_hbm, neg_hbm, qs_out, qn_out, vn_out,
                      idx_a, idx_b, r0, r1, r2, sem0, sem1, sem2):
        wid = lax.axis_index("s") * nc + lax.axis_index("c")
        base = wid * rpw
        pltpu.sync_copy(sl_hbm.at[pl.ds(base, rpw)], idx_a)
        pltpu.sync_copy(neg_hbm.at[pl.ds(base, rpw)], idx_b)
        c0 = pltpu.async_copy(q_hbm.at[idx_a], r0, sem0)
        c1 = pltpu.async_copy(q_hbm.at[idx_b], r1, sem1)
        c2 = pltpu.async_copy(v_hbm.at[idx_b], r2, sem2)
        c0.wait()
        pltpu.sync_copy(r0, qs_out.at[pl.ds(base, rpw)])
        c1.wait()
        pltpu.sync_copy(r1, qn_out.at[pl.ds(base, rpw)])
        c2.wait()
        pltpu.sync_copy(r2, vn_out.at[pl.ds(base, rpw)])

    return gather_kernel(Q_all, V_all, slicer, negative_slicer)


def _reg_kernel(qn_ref, vn_ref, reg_ref, gq, gv, dsq, *, n_rows, n_tiles):
    t = pl.program_id(0)

    def nrm(m):
        s = jnp.sum(m * m, axis=1, keepdims=True)
        return m * (1.0 / jnp.maximum(jnp.sqrt(s), 1e-12))

    qnn = nrm(qn_ref[...])
    vnn = nrm(vn_ref[...])
    d = jnp.sum(qnn * vnn, axis=1, keepdims=True)

    @pl.when(t == 0)
    def _():
        gq[...] = jnp.zeros_like(gq)
        gv[...] = jnp.zeros_like(gv)
        dsq[...] = jnp.zeros_like(dsq)

    dims = (((0,), (0,)), ((), ()))
    gq[...] += lax.dot_general(qnn, qnn, dims, preferred_element_type=jnp.float32)
    gv[...] += lax.dot_general(vnn, vnn, dims, preferred_element_type=jnp.float32)
    dsq[...] += jnp.sum(d * d)

    @pl.when(t == n_tiles - 1)
    def _():
        n = jnp.float32(n_rows)
        numer = jnp.sum(gq[...] * gv[...]) / n - dsq[...] / n
        reg_ref[...] = QVT_L2_WEIGHT * jnp.maximum(numer, 0.0) / (n - 1.0)


def _tc_reg(qn, vn):
    n, d = qn.shape
    tile = 1024
    n_tiles = n // tile
    return pl.pallas_call(
        functools.partial(_reg_kernel, n_rows=n, n_tiles=n_tiles),
        grid=(n_tiles,),
        in_specs=[
            pl.BlockSpec((tile, d), lambda t: (t, 0)),
            pl.BlockSpec((tile, d), lambda t: (t, 0)),
        ],
        out_specs=pl.BlockSpec((1, 1), lambda t: (0, 0)),
        out_shape=jax.ShapeDtypeStruct((1, 1), jnp.float32),
        scratch_shapes=[
            pltpu.VMEM((d, d), jnp.float32),
            pltpu.VMEM((d, d), jnp.float32),
            pltpu.VMEM((1, 1), jnp.float32),
        ],
    )(qn, vn)


def _mm_kernel(x_ref, q_ref, nrm_ref, out_ref):
    qsn = q_ref[...] / nrm_ref[...]
    out_ref[...] = jnp.dot(x_ref[...], qsn,
                           preferred_element_type=jnp.float32)


def _tc_xq(x, qs_rows, nrmq):
    b, n = x.shape
    d = qs_rows.shape[1]
    bt = 256
    return pl.pallas_call(
        _mm_kernel,
        grid=(b // bt,),
        in_specs=[
            pl.BlockSpec((bt, n), lambda t: (t, 0)),
            pl.BlockSpec((n, d), lambda t: (0, 0)),
            pl.BlockSpec((n, 1), lambda t: (0, 0)),
        ],
        out_specs=pl.BlockSpec((bt, d), lambda t: (t, 0)),
        out_shape=jax.ShapeDtypeStruct((b, d), jnp.float32),
    )(x, qs_rows, nrmq)


def _score_topk_kernel(xq_ref, vn_ref, nv_ref, xout_ref, diag_ref, vals_ref,
                       inds_ref, s_ref, va, ia, *, bt, n, k_out):
    dims = (((1,), (1,)), ((), ()))
    vnn = vn_ref[...] / nv_ref[...]
    scores = lax.dot_general(xq_ref[...], vnn, dims,
                             preferred_element_type=jnp.float32)
    s_ref[...] = jnp.maximum(scores - xout_ref[...] * diag_ref[...], 0.0)

    iota = lax.broadcasted_iota(jnp.int32, (bt, n), 1)
    lane = lax.broadcasted_iota(jnp.int32, (bt, 128), 1)
    big = jnp.int32(2**30)

    def body(k, _):
        s = s_ref[...]
        m = jnp.max(s, axis=1, keepdims=True)
        cand = jnp.where(s == m, iota, big)
        idx = jnp.min(cand, axis=1, keepdims=True)
        s_ref[...] = jnp.where(cand == idx, -jnp.inf, s)
        va[...] = jnp.where(lane == k, m, va[...])
        ia[...] = jnp.where(lane == k, idx, ia[...])
        return 0

    lax.fori_loop(0, k_out, body, 0)
    vals_ref[...] = va[:, :k_out]
    inds_ref[...] = ia[:, :k_out]


def _tc_score_topk(xq, vn_rows, nv, x_out, diag_row):
    b, d = xq.shape
    n = vn_rows.shape[0]
    bt = 128
    grid = (b // bt,)
    return pl.pallas_call(
        functools.partial(_score_topk_kernel, bt=bt, n=n, k_out=TOPK),
        grid=grid,
        in_specs=[
            pl.BlockSpec((bt, d), lambda t: (t, 0)),
            pl.BlockSpec((n, d), lambda t: (0, 0)),
            pl.BlockSpec((n, 1), lambda t: (0, 0)),
            pl.BlockSpec((bt, n), lambda t: (t, 0)),
            pl.BlockSpec((1, n), lambda t: (0, 0)),
        ],
        out_specs=[
            pl.BlockSpec((bt, TOPK), lambda t: (t, 0)),
            pl.BlockSpec((bt, TOPK), lambda t: (t, 0)),
        ],
        out_shape=[
            jax.ShapeDtypeStruct((b, TOPK), jnp.float32),
            jax.ShapeDtypeStruct((b, TOPK), jnp.int32),
        ],
        scratch_shapes=[
            pltpu.VMEM((bt, n), jnp.float32),
            pltpu.VMEM((bt, 128), jnp.float32),
            pltpu.VMEM((bt, 128), jnp.int32),
        ],
    )(xq, vn_rows, nv, x_out, diag_row)


def kernel(x, x_out, Q_all, V_all, slicer, negative_slicer):
    qs_rows, qn_rows, vn_rows = _sc_gather(Q_all, V_all, slicer,
                                           negative_slicer)
    nq_s = jnp.maximum(jnp.sqrt(jnp.sum(qs_rows * qs_rows, -1, keepdims=True)), 1e-12)
    nq_n = jnp.maximum(jnp.sqrt(jnp.sum(qn_rows * qn_rows, -1, keepdims=True)), 1e-12)
    nv_n = jnp.maximum(jnp.sqrt(jnp.sum(vn_rows * vn_rows, -1, keepdims=True)), 1e-12)
    diag = jnp.sum((qn_rows / nq_n) * (vn_rows / nv_n), -1)
    reg = _tc_reg(qn_rows, vn_rows)
    xq = _tc_xq(x, qs_rows, nq_s)
    vals, inds = _tc_score_topk(xq, vn_rows, nv_n, x_out, diag.reshape(1, -1))
    return vals, inds, reg.reshape(())

# --- scband reference (transcript-rebuilt; emitter-appended) ---
"""Pipeline reference for scband-asym-nmsebeeformer-51848845197481 (READ-ONLY COPY).

The authoritative reference and input builder live on the scoring server;
editing this copy changes nothing except your own understanding.
"""

import jax, jax.numpy as jnp
import numpy as np

TOP_K = 100
QVT_L2_WEIGHT = 0.001

def _normalize(x, eps=1e-12):
    n = jnp.linalg.norm(x, axis=-1, keepdims=True)
    return x / jnp.maximum(n, eps)

def _frob_sq_q_vt(Q, V):
    n = Q.shape[0]
    qtq = Q.T @ Q
    vtv = V.T @ V
    full_scaled = jnp.trace((qtq / n) @ (vtv / n))
    diag_dots = (Q * V).sum(axis=-1)
    diag_sq_sum = (diag_dots * diag_dots).sum()
    numer = n * full_scaled - diag_sq_sum / n
    numer = jnp.maximum(numer, 0.0)
    return numer / (n - 1)

def setup_inputs(seed: int = 0) -> dict:
    key = jax.random.key(seed)
    k1, k2, k3, k4, k5, k6 = jax.random.split(key, 6)
    B, N_SLICE, N_ITEMS, D = 1024, 8192, 100000, 128
    x = jax.random.uniform(k1, (B, N_SLICE), dtype=jnp.float32)
    x_out = jax.random.uniform(k2, (B, N_SLICE), dtype=jnp.float32)
    Q_all = jax.random.normal(k3, (N_ITEMS, D), dtype=jnp.float32)
    V_all = jax.random.normal(k4, (N_ITEMS, D), dtype=jnp.float32)
    slicer = jax.random.randint(k5, (N_SLICE,), 0, N_ITEMS, dtype=jnp.int64 if jax.config.jax_enable_x64 else jnp.int32)
    negative_slicer = jax.random.randint(k6, (N_SLICE,), 0, N_ITEMS, dtype=jnp.int64 if jax.config.jax_enable_x64 else jnp.int32)
    return {"x": x, "x_out": x_out, "Q_all": Q_all, "V_all": V_all,
            "slicer": slicer, "negative_slicer": negative_slicer}

def reference(x, x_out, Q_all, V_all, slicer, negative_slicer):
    # Core scoring math of AsymNMSEbeeformer.train_step (given precomputed
    # SBERT item embeddings Q_all / V_all):
    Q_slicer = _normalize(jnp.take(Q_all, slicer, axis=0))
    Q_negative = _normalize(jnp.take(Q_all, negative_slicer, axis=0))
    V_negative = _normalize(jnp.take(V_all, negative_slicer, axis=0))
    xQ = x @ Q_slicer                      # [B, D]
    xQVT = xQ @ V_negative.T               # [B, N_neg]
    diag_qvt = (Q_negative * V_negative).sum(axis=-1)  # [N_neg]
    y_pred = jax.nn.relu(xQVT - x_out * diag_qvt)
    vals, inds = jax.lax.top_k(y_pred, TOP_K)
    reg = QVT_L2_WEIGHT * _frob_sq_q_vt(Q_negative, V_negative)
    return vals, inds, reg

if __name__ == "__main__":
    import jax
    _d = setup_inputs()
    print(jax.jit(kernel)(*tuple(_d.values())))

</pallas_src>

<mosaic_0001>
#map = affine_map<(d0, d1) -> (0, 0)>
#map1 = affine_map<(d0, d1) -> (0)>
module attributes {stable_mosaic.version = 14 : i64} {
  func.func @gather_kernel(%arg0: i32, %arg1: i32, %arg2: memref<100000x128xf32, #tpu.memory_space<hbm>>, %arg3: memref<100000x128xf32, #tpu.memory_space<hbm>>, %arg4: memref<8192xi32, #tpu.memory_space<hbm>>, %arg5: memref<8192xi32, #tpu.memory_space<hbm>>, %arg6: memref<8192x128xf32, #tpu.memory_space<hbm>>, %arg7: memref<8192x128xf32, #tpu.memory_space<hbm>>, %arg8: memref<8192x128xf32, #tpu.memory_space<hbm>>, %arg9: memref<256xi32, #tpu.memory_space<vmem>>, %arg10: memref<256xi32, #tpu.memory_space<vmem>>, %arg11: memref<256x128xf32, #tpu.memory_space<vmem>>, %arg12: memref<256x128xf32, #tpu.memory_space<vmem>>, %arg13: memref<256x128xf32, #tpu.memory_space<vmem>>, %arg14: memref<!tpu.dma_semaphore, #tpu.memory_space<semaphore_mem>>, %arg15: memref<!tpu.dma_semaphore, #tpu.memory_space<semaphore_mem>>, %arg16: memref<!tpu.dma_semaphore, #tpu.memory_space<semaphore_mem>>) attributes {dimension_semantics = [#tpu.dimension_semantics<core_parallel>, #tpu.dimension_semantics<subcore_parallel>], iteration_bounds = array<i64: 2, 16>, scalar_prefetch = 0 : i64, scratch_operands = 8 : i64, tpu.core_type = #tpu.core_type<sc_vector_subcore>, window_params = [{transform_indices = #map}, {transform_indices = #map}, {transform_indices = #map1}, {transform_indices = #map1}, {transform_indices = #map}, {transform_indices = #map}, {transform_indices = #map}]} {
    %mul3A = arith.constant 2 : i32
    %mul3A_0 = arith.muli %arg1, %mul3A : i32
    %add3A = arith.addi %mul3A_0, %arg0 : i32
    %mul3A_1 = arith.constant 256 : i32
    %mul3A_2 = arith.muli %add3A, %mul3A_1 : i32
    "tpu.region"() ({
      %run_scoped3A = tpu.sem_alloc : memref<!tpu.dma_semaphore, #tpu.memory_space<semaphore_mem>>
      %dma_start3A_19 = tpu.memref_slice %arg4[%mul3A_2] : memref<8192xi32, #tpu.memory_space<hbm>> -> memref<256xi32, #tpu.memory_space<hbm>>
      %dma_start3A_20 = tpu.memref_slice %arg4[%mul3A_2] : memref<8192xi32, #tpu.memory_space<hbm>> -> memref<256xi32, #tpu.memory_space<hbm>>
      tpu.enqueue_dma source(%dma_start3A_20 : memref<256xi32, #tpu.memory_space<hbm>>) target(%arg9 : memref<256xi32, #tpu.memory_space<vmem>>) target_semaphore(%run_scoped3A : memref<!tpu.dma_semaphore, #tpu.memory_space<semaphore_mem>>)
      %dma_wait3A_21 = tpu.memref_slice %arg4[%mul3A_2] : memref<8192xi32, #tpu.memory_space<hbm>> -> memref<256xi32, #tpu.memory_space<hbm>>
      %dma_wait3A_22 = tpu.memref_slice %arg4[%mul3A_2] : memref<8192xi32, #tpu.memory_space<hbm>> -> memref<256xi32, #tpu.memory_space<hbm>>
      tpu.wait_dma2 semaphore(%run_scoped3A : memref<!tpu.dma_semaphore, #tpu.memory_space<semaphore_mem>>) src(%dma_wait3A_22 : memref<256xi32, #tpu.memory_space<hbm>>) dst(%arg9 : memref<256xi32, #tpu.memory_space<vmem>>)
      tpu.yield
    }) : () -> ()
    "tpu.region"() ({
      %run_scoped3A = tpu.sem_alloc : memref<!tpu.dma_semaphore, #tpu.memory_space<semaphore_mem>>
      %dma_start3A_19 = tpu.memref_slice %arg5[%mul3A_2] : memref<8192xi32, #tpu.memory_space<hbm>> -> memref<256xi32, #tpu.memory_space<hbm>>
      %dma_start3A_20 = tpu.memref_slice %arg5[%mul3A_2] : memref<8192xi32, #tpu.memory_space<hbm>> -> memref<256xi32, #tpu.memory_space<hbm>>
      tpu.enqueue_dma source(%dma_start3A_20 : memref<256xi32, #tpu.memory_space<hbm>>) target(%arg10 : memref<256xi32, #tpu.memory_space<vmem>>) target_semaphore(%run_scoped3A : memref<!tpu.dma_semaphore, #tpu.memory_space<semaphore_mem>>)
      %dma_wait3A_21 = tpu.memref_slice %arg5[%mul3A_2] : memref<8192xi32, #tpu.memory_space<hbm>> -> memref<256xi32, #tpu.memory_space<hbm>>
      %dma_wait3A_22 = tpu.memref_slice %arg5[%mul3A_2] : memref<8192xi32, #tpu.memory_space<hbm>> -> memref<256xi32, #tpu.memory_space<hbm>>
      tpu.wait_dma2 semaphore(%run_scoped3A : memref<!tpu.dma_semaphore, #tpu.memory_space<semaphore_mem>>) src(%dma_wait3A_22 : memref<256xi32, #tpu.memory_space<hbm>>) dst(%arg10 : memref<256xi32, #tpu.memory_space<vmem>>)
      tpu.yield
    }) : () -> ()
    %dma_start3A = arith.constant 0 : i32
    %dma_start3A_3 = arith.constant 0 : i32
    %dma_start3A_4 = tpu.memref_slice %arg2[%dma_start3A, %dma_start3A_3] : memref<100000x128xf32, #tpu.memory_space<hbm>> -> memref<100000x128xf32, #tpu.memory_space<hbm>>
    tpu.enqueue_indirect_dma source(%dma_start3A_4 : memref<100000x128xf32, #tpu.memory_space<hbm>>) target(%arg11 : memref<256x128xf32, #tpu.memory_space<vmem>>) offsets(%arg9 : memref<256xi32, #tpu.memory_space<vmem>>) semaphore(%arg14 : memref<!tpu.dma_semaphore, #tpu.memory_space<semaphore_mem>>)
    %dma_start3A_5 = arith.constant 0 : i32
    %dma_start3A_6 = arith.constant 0 : i32
    %dma_start3A_7 = tpu.memref_slice %arg2[%dma_start3A_5, %dma_start3A_6] : memref<100000x128xf32, #tpu.memory_space<hbm>> -> memref<100000x128xf32, #tpu.memory_space<hbm>>
    tpu.enqueue_indirect_dma source(%dma_start3A_7 : memref<100000x128xf32, #tpu.memory_space<hbm>>) target(%arg12 : memref<256x128xf32, #tpu.memory_space<vmem>>) offsets(%arg10 : memref<256xi32, #tpu.memory_space<vmem>>) semaphore(%arg15 : memref<!tpu.dma_semaphore, #tpu.memory_space<semaphore_mem>>)
    %dma_start3A_8 = arith.constant 0 : i32
    %dma_start3A_9 = arith.constant 0 : i32
    %dma_start3A_10 = tpu.memref_slice %arg3[%dma_start3A_8, %dma_start3A_9] : memref<100000x128xf32, #tpu.memory_space<hbm>> -> memref<100000x128xf32, #tpu.memory_space<hbm>>
    tpu.enqueue_indirect_dma source(%dma_start3A_10 : memref<100000x128xf32, #tpu.memory_space<hbm>>) target(%arg13 : memref<256x128xf32, #tpu.memory_space<vmem>>) offsets(%arg10 : memref<256xi32, #tpu.memory_space<vmem>>) semaphore(%arg16 : memref<!tpu.dma_semaphore, #tpu.memory_space<semaphore_mem>>)
    %dma_wait3A = arith.constant 0 : i32
    %dma_wait3A_11 = arith.constant 0 : i32
    %dma_wait3A_12 = tpu.memref_slice %arg2[%dma_wait3A, %dma_wait3A_11] : memref<100000x128xf32, #tpu.memory_space<hbm>> -> memref<100000x128xf32, #tpu.memory_space<hbm>>
    tpu.wait_indirect_dma semaphore(%arg14 : memref<!tpu.dma_semaphore, #tpu.memory_space<semaphore_mem>>) src(%dma_wait3A_12 : memref<100000x128xf32, #tpu.memory_space<hbm>>) dst(%arg11 : memref<256x128xf32, #tpu.memory_space<vmem>>)
    "tpu.region"() ({
      %run_scoped3A = tpu.sem_alloc : memref<!tpu.dma_semaphore, #tpu.memory_space<semaphore_mem>>
      %dma_start3A_19 = arith.constant 0 : i32
      %dma_start3A_20 = tpu.memref_slice %arg6[%mul3A_2, %dma_start3A_19] : memref<8192x128xf32, #tpu.memory_space<hbm>> -> memref<256x128xf32, #tpu.memory_space<hbm>>
      %dma_start3A_21 = arith.constant 0 : i32
      %dma_start3A_22 = tpu.memref_slice %arg6[%mul3A_2, %dma_start3A_21] : memref<8192x128xf32, #tpu.memory_space<hbm>> -> memref<256x128xf32, #tpu.memory_space<hbm>>
      tpu.enqueue_dma source(%arg11 : memref<256x128xf32, #tpu.memory_space<vmem>>) target(%dma_start3A_22 : memref<256x128xf32, #tpu.memory_space<hbm>>) target_semaphore(%run_scoped3A : memref<!tpu.dma_semaphore, #tpu.memory_space<semaphore_mem>>)
      %dma_wait3A_23 = arith.constant 0 : i32
      %dma_wait3A_24 = tpu.memref_slice %arg6[%mul3A_2, %dma_wait3A_23] : memref<8192x128xf32, #tpu.memory_space<hbm>> -> memref<256x128xf32, #tpu.memory_space<hbm>>
      %dma_wait3A_25 = arith.constant 0 : i32
      %dma_wait3A_26 = tpu.memref_slice %arg6[%mul3A_2, %dma_wait3A_25] : memref<8192x128xf32, #tpu.memory_space<hbm>> -> memref<256x128xf32, #tpu.memory_space<hbm>>
      tpu.wait_dma2 semaphore(%run_scoped3A : memref<!tpu.dma_semaphore, #tpu.memory_space<semaphore_mem>>) src(%arg11 : memref<256x128xf32, #tpu.memory_space<vmem>>) dst(%dma_wait3A_26 : memref<256x128xf32, #tpu.memory_space<hbm>>)
      tpu.yield
    }) : () -> ()
    %dma_wait3A_13 = arith.constant 0 : i32
    %dma_wait3A_14 = arith.constant 0 : i32
    %dma_wait3A_15 = tpu.memref_slice %arg2[%dma_wait3A_13, %dma_wait3A_14] : memref<100000x128xf32, #tpu.memory_space<hbm>> -> memref<100000x128xf32, #tpu.memory_space<hbm>>
    tpu.wait_indirect_dma semaphore(%arg15 : memref<!tpu.dma_semaphore, #tpu.memory_space<semaphore_mem>>) src(%dma_wait3A_15 : memref<100000x128xf32, #tpu.memory_space<hbm>>) dst(%arg12 : memref<256x128xf32, #tpu.memory_space<vmem>>)
    "tpu.region"() ({
      %run_scoped3A = tpu.sem_alloc : memref<!tpu.dma_semaphore, #tpu.memory_space<semaphore_mem>>
      %dma_start3A_19 = arith.constant 0 : i32
      %dma_start3A_20 = tpu.memref_slice %arg7[%mul3A_2, %dma_start3A_19] : memref<8192x128xf32, #tpu.memory_space<hbm>> -> memref<256x128xf32, #tpu.memory_space<hbm>>
      %dma_start3A_21 = arith.constant 0 : i32
      %dma_start3A_22 = tpu.memref_slice %arg7[%mul3A_2, %dma_start3A_21] : memref<8192x128xf32, #tpu.memory_space<hbm>> -> memref<256x128xf32, #tpu.memory_space<hbm>>
      tpu.enqueue_dma source(%arg12 : memref<256x128xf32, #tpu.memory_space<vmem>>) target(%dma_start3A_22 : memref<256x128xf32, #tpu.memory_space<hbm>>) target_semaphore(%run_scoped3A : memref<!tpu.dma_semaphore, #tpu.memory_space<semaphore_mem>>)
      %dma_wait3A_23 = arith.constant 0 : i32
      %dma_wait3A_24 = tpu.memref_slice %arg7[%mul3A_2, %dma_wait3A_23] : memref<8192x128xf32, #tpu.memory_space<hbm>> -> memref<256x128xf32, #tpu.memory_space<hbm>>
      %dma_wait3A_25 = arith.constant 0 : i32
      %dma_wait3A_26 = tpu.memref_slice %arg7[%mul3A_2, %dma_wait3A_25] : memref<8192x128xf32, #tpu.memory_space<hbm>> -> memref<256x128xf32, #tpu.memory_space<hbm>>
      tpu.wait_dma2 semaphore(%run_scoped3A : memref<!tpu.dma_semaphore, #tpu.memory_space<semaphore_mem>>) src(%arg12 : memref<256x128xf32, #tpu.memory_space<vmem>>) dst(%dma_wait3A_26 : memref<256x128xf32, #tpu.memory_space<hbm>>)
      tpu.yield
    }) : () -> ()
    %dma_wait3A_16 = arith.constant 0 : i32
    %dma_wait3A_17 = arith.constant 0 : i32
    %dma_wait3A_18 = tpu.memref_slice %arg3[%dma_wait3A_16, %dma_wait3A_17] : memref<100000x128xf32, #tpu.memory_space<hbm>> -> memref<100000x128xf32, #tpu.memory_space<hbm>>
    tpu.wait_indirect_dma semaphore(%arg16 : memref<!tpu.dma_semaphore, #tpu.memory_space<semaphore_mem>>) src(%dma_wait3A_18 : memref<100000x128xf32, #tpu.memory_space<hbm>>) dst(%arg13 : memref<256x128xf32, #tpu.memory_space<vmem>>)
    "tpu.region"() ({
      %run_scoped3A = tpu.sem_alloc : memref<!tpu.dma_semaphore, #tpu.memory_space<semaphore_mem>>
      %dma_start3A_19 = arith.constant 0 : i32
      %dma_start3A_20 = tpu.memref_slice %arg8[%mul3A_2, %dma_start3A_19] : memref<8192x128xf32, #tpu.memory_space<hbm>> -> memref<256x128xf32, #tpu.memory_space<hbm>>
      %dma_start3A_21 = arith.constant 0 : i32
      %dma_start3A_22 = tpu.memref_slice %arg8[%mul3A_2, %dma_start3A_21] : memref<8192x128xf32, #tpu.memory_space<hbm>> -> memref<256x128xf32, #tpu.memory_space<hbm>>
      tpu.enqueue_dma source(%arg13 : memref<256x128xf32, #tpu.memory_space<vmem>>) target(%dma_start3A_22 : memref<256x128xf32, #tpu.memory_space<hbm>>) target_semaphore(%run_scoped3A : memref<!tpu.dma_semaphore, #tpu.memory_space<semaphore_mem>>)
      %dma_wait3A_23 = arith.constant 0 : i32
      %dma_wait3A_24 = tpu.memref_slice %arg8[%mul3A_2, %dma_wait3A_23] : memref<8192x128xf32, #tpu.memory_space<hbm>> -> memref<256x128xf32, #tpu.memory_space<hbm>>
      %dma_wait3A_25 = arith.constant 0 : i32
      %dma_wait3A_26 = tpu.memref_slice %arg8[%mul3A_2, %dma_wait3A_25] : memref<8192x128xf32, #tpu.memory_space<hbm>> -> memref<256x128xf32, #tpu.memory_space<hbm>>
      tpu.wait_dma2 semaphore(%run_scoped3A : memref<!tpu.dma_semaphore, #tpu.memory_space<semaphore_mem>>) src(%arg13 : memref<256x128xf32, #tpu.memory_space<vmem>>) dst(%dma_wait3A_26 : memref<256x128xf32, #tpu.memory_space<hbm>>)
      tpu.yield
    }) : () -> ()
    return
  }
}

module attributes {stable_mosaic.version = 14 : i64} {
  func.func @_reg_kernel(%arg0: i32, %arg1: memref<1024x128xf32, #tpu.memory_space<vmem>>, %arg2: memref<1024x128xf32, #tpu.memory_space<vmem>>, %arg3: memref<1x1xf32, #tpu.memory_space<vmem>>, %arg4: memref<128x128xf32, #tpu.memory_space<vmem>>, %arg5: memref<128x128xf32, #tpu.memory_space<vmem>>, %arg6: memref<1x1xf32, #tpu.memory_space<vmem>>) attributes {dimension_semantics = [#tpu.dimension_semantics<arbitrary>], iteration_bounds = array<i64: 8>, scalar_prefetch = 0 : i64, scratch_operands = 3 : i64, tpu.core_type = #tpu.core_type<tc>, window_params = [{transform_indices = @transform_0, window_bounds = array<i64: 1024, 128>}, {transform_indices = @transform_1, window_bounds = array<i64: 1024, 128>}, {pipeline_mode = #tpu.pipeline_mode<synchronous>, transform_indices = @transform_2, window_bounds = array<i64: 1, 1>}]} {
    %get3A = arith.constant 0 : index
    %get3A_0 = arith.constant 0 : index
    %get3A_1 = vector.load %arg1[%get3A, %get3A_0] : memref<1024x128xf32, #tpu.memory_space<vmem>>, vector<1024x128xf32>
    %mul3A = arith.mulf %get3A_1, %get3A_1 : vector<1024x128xf32>
    %reduce_sum3A = arith.constant dense<0.000000e+00> : vector<1024xf32>
    %reduce_sum3A_2 = vector.multi_reduction <add>, %mul3A, %reduce_sum3A [1] : vector<1024x128xf32> to vector<1024xf32>
    %broadcast_in_dim3A = vector.shape_cast %reduce_sum3A_2 : vector<1024xf32> to vector<1024x1xf32>
    %sqrt3A = math.sqrt %broadcast_in_dim3A : vector<1024x1xf32>
    %max3A = arith.constant 9.99999996E-13 : f32
    %max3A_3 = vector.broadcast %max3A : f32 to vector<1024x1xf32>
    %max3A_4 = arith.maximumf %sqrt3A, %max3A_3 : vector<1024x1xf32>
    %div3A = arith.constant 1.000000e+00 : f32
    %div3A_5 = vector.broadcast %div3A : f32 to vector<1024x1xf32>
    %div3A_6 = arith.divf %div3A_5, %max3A_4 : vector<1024x1xf32>
    %mul3A_7 = vector.broadcast %div3A_6 : vector<1024x1xf32> to vector<1024x128xf32>
    %mul3A_8 = arith.mulf %get3A_1, %mul3A_7 : vector<1024x128xf32>
    %get3A_9 = arith.constant 0 : index
    %get3A_10 = arith.constant 0 : index
    %get3A_11 = vector.load %arg2[%get3A_9, %get3A_10] : memref<1024x128xf32, #tpu.memory_space<vmem>>, vector<1024x128xf32>
    %mul3A_12 = arith.mulf %get3A_11, %get3A_11 : vector<1024x128xf32>
    %reduce_sum3A_13 = arith.constant dense<0.000000e+00> : vector<1024xf32>
    %reduce_sum3A_14 = vector.multi_reduction <add>, %mul3A_12, %reduce_sum3A_13 [1] : vector<1024x128xf32> to vector<1024xf32>
    %broadcast_in_dim3A_15 = vector.shape_cast %reduce_sum3A_14 : vector<1024xf32> to vector<1024x1xf32>
    %sqrt3A_16 = math.sqrt %broadcast_in_dim3A_15 : vector<1024x1xf32>
    %max3A_17 = arith.constant 9.99999996E-13 : f32
    %max3A_18 = vector.broadcast %max3A_17 : f32 to vector<1024x1xf32>
    %max3A_19 = arith.maximumf %sqrt3A_16, %max3A_18 : vector<1024x1xf32>
    %div3A_20 = arith.constant 1.000000e+00 : f32
    %div3A_21 = vector.broadcast %div3A_20 : f32 to vector<1024x1xf32>
    %div3A_22 = arith.divf %div3A_21, %max3A_19 : vector<1024x1xf32>
    %mul3A_23 = vector.broadcast %div3A_22 : vector<1024x1xf32> to vector<1024x128xf32>
    %mul3A_24 = arith.mulf %get3A_11, %mul3A_23 : vector<1024x128xf32>
    %mul3A_25 = arith.mulf %mul3A_8, %mul3A_24 : vector<1024x128xf32>
    %reduce_sum3A_26 = arith.constant dense<0.000000e+00> : vector<1024xf32>
    %reduce_sum3A_27 = vector.multi_reduction <add>, %mul3A_25, %reduce_sum3A_26 [1] : vector<1024x128xf32> to vector<1024xf32>
    %broadcast_in_dim3A_28 = vector.shape_cast %reduce_sum3A_27 : vector<1024xf32> to vector<1024x1xf32>
    %eq3A = arith.constant 0 : i32
    %eq3A_29 = arith.cmpi eq, %arg0, %eq3A : i32
    %convert_element_type3A = arith.extui %eq3A_29 : i1 to i32
    %cond3A = arith.constant 0 : i32
    %cond3A_30 = arith.cmpi ne, %convert_element_type3A, %cond3A : i32
    scf.if %cond3A_30 {
      %broadcast_in_dim3A_65 = arith.constant 0.000000e+00 : f32
      %broadcast_in_dim3A_66 = vector.broadcast %broadcast_in_dim3A_65 : f32 to vector<128x128xf32>
      %swap3A_67 = arith.constant 0 : index
      %swap3A_68 = arith.constant 0 : index
      %swap3A_69 = vector.load %arg4[%swap3A_67, %swap3A_68] : memref<128x128xf32, #tpu.memory_space<vmem>>, vector<128x128xf32>
      tpu.vector_store %arg4[%swap3A_67, %swap3A_68], %broadcast_in_dim3A_66 {strides = array<i32>} : memref<128x128xf32, #tpu.memory_space<vmem>>, vector<128x128xf32>,
      %broadcast_in_dim3A_70 = arith.constant 0.000000e+00 : f32
      %broadcast_in_dim3A_71 = vector.broadcast %broadcast_in_dim3A_70 : f32 to vector<128x128xf32>
      %swap3A_72 = arith.constant 0 : index
      %swap3A_73 = arith.constant 0 : index
      %swap3A_74 = vector.load %arg5[%swap3A_72, %swap3A_73] : memref<128x128xf32, #tpu.memory_space<vmem>>, vector<128x128xf32>
      tpu.vector_store %arg5[%swap3A_72, %swap3A_73], %broadcast_in_dim3A_71 {strides = array<i32>} : memref<128x128xf32, #tpu.memory_space<vmem>>, vector<128x128xf32>,
      %broadcast_in_dim3A_75 = arith.constant 0.000000e+00 : f32
      %broadcast_in_dim3A_76 = vector.broadcast %broadcast_in_dim3A_75 : f32 to vector<1x1xf32>
      %swap3A_77 = arith.constant 0 : index
      %swap3A_78 = arith.constant 0 : index
      %swap3A_79 = vector.load %arg6[%swap3A_77, %swap3A_78] : memref<1x1xf32, #tpu.memory_space<vmem>>, vector<1x1xf32>
      tpu.vector_store %arg6[%swap3A_77, %swap3A_78], %broadcast_in_dim3A_76 {strides = array<i32>} : memref<1x1xf32, #tpu.memory_space<vmem>>, vector<1x1xf32>,
    } else {
    }
    %get3A_31 = arith.constant 0 : index
    %get3A_32 = arith.constant 0 : index
    %get3A_33 = vector.load %arg4[%get3A_31, %get3A_32] : memref<128x128xf32, #tpu.memory_space<vmem>>, vector<128x128xf32>
    %dot_general3A = arith.constant dense<0.000000e+00> : vector<128x128xf32>
    %dot_general3A_34 = tpu.matmul %mul3A_8, %mul3A_8, %dot_general3A {dimension_numbers = #tpu.dot_dimension_numbers<[0], [0], [1], [1], [0, 1, 1, 1], [], []>, transpose_lhs_hint = false} : vector<1024x128xf32>, vector<1024x128xf32>, vector<128x128xf32> -> vector<128x128xf32>
    %add3A = arith.addf %get3A_33, %dot_general3A_34 : vector<128x128xf32>
    %swap3A = arith.constant 0 : index
    %swap3A_35 = arith.constant 0 : index
    %swap3A_36 = vector.load %arg4[%swap3A, %swap3A_35] : memref<128x128xf32, #tpu.memory_space<vmem>>, vector<128x128xf32>
    tpu.vector_store %arg4[%swap3A, %swap3A_35], %add3A {strides = array<i32>} : memref<128x128xf32, #tpu.memory_space<vmem>>, vector<128x128xf32>,
    %get3A_37 = arith.constant 0 : index
    %get3A_38 = arith.constant 0 : index
    %get3A_39 = vector.load %arg5[%get3A_37, %get3A_38] : memref<128x128xf32, #tpu.memory_space<vmem>>, vector<128x128xf32>
    %dot_general3A_40 = arith.constant dense<0.000000e+00> : vector<128x128xf32>
    %dot_general3A_41 = tpu.matmul %mul3A_24, %mul3A_24, %dot_general3A_40 {dimension_numbers = #tpu.dot_dimension_numbers<[0], [0], [1], [1], [0, 1, 1, 1], [], []>, transpose_lhs_hint = false} : vector<1024x128xf32>, vector<1024x128xf32>, vector<128x128xf32> -> vector<128x128xf32>
    %add3A_42 = arith.addf %get3A_39, %dot_general3A_41 : vector<128x128xf32>
    %swap3A_43 = arith.constant 0 : index
    %swap3A_44 = arith.constant 0 : index
    %swap3A_45 = vector.load %arg5[%swap3A_43, %swap3A_44] : memref<128x128xf32, #tpu.memory_space<vmem>>, vector<128x128xf32>
    tpu.vector_store %arg5[%swap3A_43, %swap3A_44], %add3A_42 {strides = array<i32>} : memref<128x128xf32, #tpu.memory_space<vmem>>, vector<128x128xf32>,
    %get3A_46 = arith.constant 0 : index
    %get3A_47 = arith.constant 0 : index
    %get3A_48 = vector.load %arg6[%get3A_46, %get3A_47] : memref<1x1xf32, #tpu.memory_space<vmem>>, vector<1x1xf32>
    %mul3A_49 = arith.mulf %broadcast_in_dim3A_28, %broadcast_in_dim3A_28 : vector<1024x1xf32>
    %reduce_sum3A_50 = vector.shape_cast %mul3A_49 : vector<1024x1xf32> to vector<1x1024x1xf32>
    %reduce_sum3A_51 = arith.constant dense<0.000000e+00> : vector<1xf32>
    %reduce_sum3A_52 = vector.multi_reduction <add>, %reduce_sum3A_50, %reduce_sum3A_51 [1, 2] : vector<1x1024x1xf32> to vector<1xf32>
    %reduce_sum3A_53 = vector.shape_cast %reduce_sum3A_52 : vector<1xf32> to vector<1x1x1xf32>
    %reduce_sum3A_54 = vector.extract %reduce_sum3A_53[0, 0, 0] : f32 from vector<1x1x1xf32>
    %add3A_55 = vector.broadcast %reduce_sum3A_54 : f32 to vector<1x1xf32>
    %add3A_56 = arith.addf %get3A_48, %add3A_55 : vector<1x1xf32>
    %swap3A_57 = arith.constant 0 : index
    %swap3A_58 = arith.constant 0 : index
    %swap3A_59 = vector.load %arg6[%swap3A_57, %swap3A_58] : memref<1x1xf32, #tpu.memory_space<vmem>>, vector<1x1xf32>
    tpu.vector_store %arg6[%swap3A_57, %swap3A_58], %add3A_56 {strides = array<i32>} : memref<1x1xf32, #tpu.memory_space<vmem>>, vector<1x1xf32>,
    %eq3A_60 = arith.constant 7 : i32
    %eq3A_61 = arith.cmpi eq, %arg0, %eq3A_60 : i32
    %convert_element_type3A_62 = arith.extui %eq3A_61 : i1 to i32
    %cond3A_63 = arith.constant 0 : i32
    %cond3A_64 = arith.cmpi ne, %convert_element_type3A_62, %cond3A_63 : i32
    scf.if %cond3A_64 {
      %get3A_65 = arith.constant 0 : index
      %get3A_66 = arith.constant 0 : index
      %get3A_67 = vector.load %arg4[%get3A_65, %get3A_66] : memref<128x128xf32, #tpu.memory_space<vmem>>, vector<128x128xf32>
      %get3A_68 = arith.constant 0 : index
      %get3A_69 = arith.constant 0 : index
      %get3A_70 = vector.load %arg5[%get3A_68, %get3A_69] : memref<128x128xf32, #tpu.memory_space<vmem>>, vector<128x128xf32>
      %mul3A_71 = arith.mulf %get3A_67, %get3A_70 : vector<128x128xf32>
      %reduce_sum3A_72 = vector.shape_cast %mul3A_71 : vector<128x128xf32> to vector<1x128x128xf32>
      %reduce_sum3A_73 = arith.constant dense<0.000000e+00> : vector<1xf32>
      %reduce_sum3A_74 = vector.multi_reduction <add>, %reduce_sum3A_72, %reduce_sum3A_73 [1, 2] : vector<1x128x128xf32> to vector<1xf32>
      %reduce_sum3A_75 = vector.shape_cast %reduce_sum3A_74 : vector<1xf32> to vector<1x1x1xf32>
      %reduce_sum3A_76 = vector.extract %reduce_sum3A_75[0, 0, 0] : f32 from vector<1x1x1xf32>
      %div3A_77 = arith.constant 8.192000e+03 : f32
      %div3A_78 = arith.divf %reduce_sum3A_76, %div3A_77 : f32
      %get3A_79 = arith.constant 0 : index
      %get3A_80 = arith.constant 0 : index
      %get3A_81 = vector.load %arg6[%get3A_79, %get3A_80] : memref<1x1xf32, #tpu.memory_space<vmem>>, vector<1x1xf32>
      %div3A_82 = arith.constant 8.192000e+03 : f32
      %div3A_83 = vector.broadcast %div3A_82 : f32 to vector<1x1xf32>
      %div3A_84 = arith.divf %get3A_81, %div3A_83 : vector<1x1xf32>
      %sub3A = vector.broadcast %div3A_78 : f32 to vector<1x1xf32>
      %sub3A_85 = arith.subf %sub3A, %div3A_84 : vector<1x1xf32>
      %max3A_86 = arith.constant 0.000000e+00 : f32
      %max3A_87 = vector.broadcast %max3A_86 : f32 to vector<1x1xf32>
      %max3A_88 = arith.maximumf %sub3A_85, %max3A_87 : vector<1x1xf32>
      %mul3A_89 = arith.constant 1.000000e-03 : f32
      %mul3A_90 = vector.broadcast %mul3A_89 : f32 to vector<1x1xf32>
      %mul3A_91 = arith.mulf %mul3A_90, %max3A_88 : vector<1x1xf32>
      %sub3A_92 = arith.constant 8.192000e+03 : f32
      %sub3A_93 = arith.constant 1.000000e+00 : f32
      %sub3A_94 = arith.subf %sub3A_92, %sub3A_93 : f32
      %div3A_95 = vector.broadcast %sub3A_94 : f32 to vector<1x1xf32>
      %div3A_96 = arith.divf %mul3A_91, %div3A_95 : vector<1x1xf32>
      %swap3A_97 = arith.constant 0 : index
      %swap3A_98 = arith.constant 0 : index
      %swap3A_99 = vector.load %arg3[%swap3A_97, %swap3A_98] : memref<1x1xf32, #tpu.memory_space<vmem>>, vector<1x1xf32>
      tpu.vector_store %arg3[%swap3A_97, %swap3A_98], %div3A_96 {strides = array<i32>} : memref<1x1xf32, #tpu.memory_space<vmem>>, vector<1x1xf32>,
    } else {
    }
    return
  }
  func.func @transform_0(%arg0: i32) -> (i32, i32) {
    %c0_i32 = arith.constant 0 : i32
    %c0_i32_0 = arith.constant 0 : i32
    return %arg0, %c0_i32 : i32, i32
  }
  func.func @transform_1(%arg0: i32) -> (i32, i32) {
    %c0_i32 = arith.constant 0 : i32
    %c0_i32_0 = arith.constant 0 : i32
    return %arg0, %c0_i32 : i32, i32
  }
  func.func @transform_2(%arg0: i32) -> (i32, i32) {
    %c0_i32 = arith.constant 0 : i32
    %c0_i32_0 = arith.constant 0 : i32
    %c0_i32_1 = arith.constant 0 : i32
    return %c0_i32, %c0_i32_0 : i32, i32
  }
}

module attributes {stable_mosaic.version = 14 : i64} {
  func.func @_mm_kernel(%arg0: i32, %arg1: memref<256x8192xf32, #tpu.memory_space<vmem>>, %arg2: memref<8192x128xf32, #tpu.memory_space<vmem>>, %arg3: memref<8192x1xf32, #tpu.memory_space<vmem>>, %arg4: memref<256x128xf32, #tpu.memory_space<vmem>>) attributes {dimension_semantics = [#tpu.dimension_semantics<arbitrary>], iteration_bounds = array<i64: 4>, scalar_prefetch = 0 : i64, scratch_operands = 0 : i64, tpu.core_type = #tpu.core_type<tc>, window_params = [{transform_indices = @transform_0, window_bounds = array<i64: 256, 8192>}, {pipeline_mode = #tpu.pipeline_mode<synchronous>, transform_indices = @transform_1, window_bounds = array<i64: 8192, 128>}, {pipeline_mode = #tpu.pipeline_mode<synchronous>, transform_indices = @transform_2, window_bounds = array<i64: 8192, 1>}, {transform_indices = @transform_3, window_bounds = array<i64: 256, 128>}]} {
    %get3A = arith.constant 0 : index
    %get3A_0 = arith.constant 0 : index
    %get3A_1 = vector.load %arg2[%get3A, %get3A_0] : memref<8192x128xf32, #tpu.memory_space<vmem>>, vector<8192x128xf32>
    %get3A_2 = arith.constant 0 : index
    %get3A_3 = arith.constant 0 : index
    %get3A_4 = vector.load %arg3[%get3A_2, %get3A_3] : memref<8192x1xf32, #tpu.memory_space<vmem>>, vector<8192x1xf32>
    %div3A = vector.broadcast %get3A_4 : vector<8192x1xf32> to vector<8192x128xf32>
    %div3A_5 = arith.divf %get3A_1, %div3A : vector<8192x128xf32>
    %get3A_6 = arith.constant 0 : index
    %get3A_7 = arith.constant 0 : index
    %get3A_8 = vector.load %arg1[%get3A_6, %get3A_7] : memref<256x8192xf32, #tpu.memory_space<vmem>>, vector<256x8192xf32>
    %dot_general3A = arith.constant dense<0.000000e+00> : vector<256x128xf32>
    %dot_general3A_9 = tpu.matmul %get3A_8, %div3A_5, %dot_general3A {dimension_numbers = #tpu.dot_dimension_numbers<[1], [0], [0], [1], [0, 0, 1, 1], [], []>, transpose_lhs_hint = false} : vector<256x8192xf32>, vector<8192x128xf32>, vector<256x128xf32> -> vector<256x128xf32>
    %swap3A = arith.constant 0 : index
    %swap3A_10 = arith.constant 0 : index
    %swap3A_11 = vector.load %arg4[%swap3A, %swap3A_10] : memref<256x128xf32, #tpu.memory_space<vmem>>, vector<256x128xf32>
    tpu.vector_store %arg4[%swap3A, %swap3A_10], %dot_general3A_9 {strides = array<i32>} : memref<256x128xf32, #tpu.memory_space<vmem>>, vector<256x128xf32>,
    return
  }
  func.func @transform_0(%arg0: i32) -> (i32, i32) {
    %c0_i32 = arith.constant 0 : i32
    %c0_i32_0 = arith.constant 0 : i32
    return %arg0, %c0_i32 : i32, i32
  }
  func.func @transform_1(%arg0: i32) -> (i32, i32) {
    %c0_i32 = arith.constant 0 : i32
    %c0_i32_0 = arith.constant 0 : i32
    %c0_i32_1 = arith.constant 0 : i32
    return %c0_i32, %c0_i32_0 : i32, i32
  }
  func.func @transform_2(%arg0: i32) -> (i32, i32) {
    %c0_i32 = arith.constant 0 : i32
    %c0_i32_0 = arith.constant 0 : i32
    %c0_i32_1 = arith.constant 0 : i32
    return %c0_i32, %c0_i32_0 : i32, i32
  }
  func.func @transform_3(%arg0: i32) -> (i32, i32) {
    %c0_i32 = arith.constant 0 : i32
    %c0_i32_0 = arith.constant 0 : i32
    return %arg0, %c0_i32 : i32, i32
  }
}

module attributes {stable_mosaic.version = 14 : i64} {
  func.func @_score_topk_kernel(%arg0: i32, %arg1: memref<128x128xf32, #tpu.memory_space<vmem>>, %arg2: memref<8192x128xf32, #tpu.memory_space<vmem>>, %arg3: memref<8192x1xf32, #tpu.memory_space<vmem>>, %arg4: memref<128x8192xf32, #tpu.memory_space<vmem>>, %arg5: memref<1x8192xf32, #tpu.memory_space<vmem>>, %arg6: memref<128x100xf32, #tpu.memory_space<vmem>>, %arg7: memref<128x100xi32, #tpu.memory_space<vmem>>, %arg8: memref<128x8192xf32, #tpu.memory_space<vmem>>, %arg9: memref<128x128xf32, #tpu.memory_space<vmem>>, %arg10: memref<128x128xi32, #tpu.memory_space<vmem>>) attributes {dimension_semantics = [#tpu.dimension_semantics<arbitrary>], iteration_bounds = array<i64: 8>, scalar_prefetch = 0 : i64, scratch_operands = 3 : i64, tpu.core_type = #tpu.core_type<tc>, window_params = [{transform_indices = @transform_0, window_bounds = array<i64: 128, 128>}, {pipeline_mode = #tpu.pipeline_mode<synchronous>, transform_indices = @transform_1, window_bounds = array<i64: 8192, 128>}, {pipeline_mode = #tpu.pipeline_mode<synchronous>, transform_indices = @transform_2, window_bounds = array<i64: 8192, 1>}, {transform_indices = @transform_3, window_bounds = array<i64: 128, 8192>}, {pipeline_mode = #tpu.pipeline_mode<synchronous>, transform_indices = @transform_4, window_bounds = array<i64: 1, 8192>}, {transform_indices = @transform_5, window_bounds = array<i64: 128, 100>}, {transform_indices = @transform_6, window_bounds = array<i64: 128, 100>}]} {
    %get3A = arith.constant 0 : index
    %get3A_0 = arith.constant 0 : index
    %get3A_1 = vector.load %arg2[%get3A, %get3A_0] : memref<8192x128xf32, #tpu.memory_space<vmem>>, vector<8192x128xf32>
    %get3A_2 = arith.constant 0 : index
    %get3A_3 = arith.constant 0 : index
    %get3A_4 = vector.load %arg3[%get3A_2, %get3A_3] : memref<8192x1xf32, #tpu.memory_space<vmem>>, vector<8192x1xf32>
    %div3A = vector.broadcast %get3A_4 : vector<8192x1xf32> to vector<8192x128xf32>
    %div3A_5 = arith.divf %get3A_1, %div3A : vector<8192x128xf32>
    %get3A_6 = arith.constant 0 : index
    %get3A_7 = arith.constant 0 : index
    %get3A_8 = vector.load %arg1[%get3A_6, %get3A_7] : memref<128x128xf32, #tpu.memory_space<vmem>>, vector<128x128xf32>
    %dot_general3A = arith.constant dense<0.000000e+00> : vector<128x8192xf32>
    %dot_general3A_9 = tpu.matmul %get3A_8, %div3A_5, %dot_general3A {dimension_numbers = #tpu.dot_dimension_numbers<[1], [1], [0], [0], [0, 0, 1, 0], [], []>, transpose_lhs_hint = false} : vector<128x128xf32>, vector<8192x128xf32>, vector<128x8192xf32> -> vector<128x8192xf32>
    %get3A_10 = arith.constant 0 : index
    %get3A_11 = arith.constant 0 : index
    %get3A_12 = vector.load %arg4[%get3A_10, %get3A_11] : memref<128x8192xf32, #tpu.memory_space<vmem>>, vector<128x8192xf32>
    %get3A_13 = arith.constant 0 : index
    %get3A_14 = arith.constant 0 : index
    %get3A_15 = vector.load %arg5[%get3A_13, %get3A_14] : memref<1x8192xf32, #tpu.memory_space<vmem>>, vector<1x8192xf32>
    %mul3A = vector.broadcast %get3A_15 : vector<1x8192xf32> to vector<128x8192xf32>
    %mul3A_16 = arith.mulf %get3A_12, %mul3A : vector<128x8192xf32>
    %sub3A = arith.subf %dot_general3A_9, %mul3A_16 : vector<128x8192xf32>
    %max3A = arith.constant 0.000000e+00 : f32
    %max3A_17 = vector.broadcast %max3A : f32 to vector<128x8192xf32>
    %max3A_18 = arith.maximumf %sub3A, %max3A_17 : vector<128x8192xf32>
    %swap3A = arith.constant 0 : index
    %swap3A_19 = arith.constant 0 : index
    %swap3A_20 = vector.load %arg8[%swap3A, %swap3A_19] : memref<128x8192xf32, #tpu.memory_space<vmem>>, vector<128x8192xf32>
    tpu.vector_store %arg8[%swap3A, %swap3A_19], %max3A_18 {strides = array<i32>} : memref<128x8192xf32, #tpu.memory_space<vmem>>, vector<128x8192xf32>,
    %iota3A = tpu.iota {dimensions = array<i32: 1>} : vector<128x8192xi32>
    %iota3A_21 = tpu.iota {dimensions = array<i32: 1>} : vector<128x128xi32>
    %scan3A = arith.constant 1073741824 : i32
    %scan3A_22 = arith.constant 0 : i32
    %scan3A_23 = arith.constant 100 : i32
    %scan3A_24 = arith.addi %scan3A_22, %scan3A_23 : i32
    %scan3A_25 = arith.constant 1 : i32
    scf.for %scan3A_39 = %scan3A_22 to %scan3A_24 step %scan3A_25  : i32 {
      %get3A_40 = arith.constant 0 : index
      %get3A_41 = arith.constant 0 : index
      %get3A_42 = vector.load %arg8[%get3A_40, %get3A_41] : memref<128x8192xf32, #tpu.memory_space<vmem>>, vector<128x8192xf32>
      %reduce_max3A = arith.constant dense<0xFF800000> : vector<128xf32>
      %reduce_max3A_43 = vector.multi_reduction <maximumf>, %get3A_42, %reduce_max3A [1] : vector<128x8192xf32> to vector<128xf32>
      %broadcast_in_dim3A = vector.shape_cast %reduce_max3A_43 : vector<128xf32> to vector<128x1xf32>
      %eq3A = vector.broadcast %broadcast_in_dim3A : vector<128x1xf32> to vector<128x8192xf32>
      %eq3A_44 = arith.cmpf oeq, %get3A_42, %eq3A : vector<128x8192xf32>
      %broadcast_in_dim3A_45 = vector.broadcast %scan3A : i32 to vector<128x8192xi32>
      %select_n3A = arith.select %eq3A_44, %iota3A, %broadcast_in_dim3A_45 : vector<128x8192xi1>, vector<128x8192xi32>
      %reduce_min3A = arith.constant dense<2147483647> : vector<128xi32>
      %reduce_min3A_46 = vector.multi_reduction <minsi>, %select_n3A, %reduce_min3A [1] : vector<128x8192xi32> to vector<128xi32>
      %broadcast_in_dim3A_47 = vector.shape_cast %reduce_min3A_46 : vector<128xi32> to vector<128x1xi32>
      %eq3A_48 = vector.broadcast %broadcast_in_dim3A_47 : vector<128x1xi32> to vector<128x8192xi32>
      %eq3A_49 = arith.cmpi eq, %select_n3A, %eq3A_48 : vector<128x8192xi32>
      %jit3A = arith.constant 0xFF800000 : f32
      %broadcast_in_dim3A_50 = vector.broadcast %jit3A : f32 to vector<128x8192xf32>
      %select_n3A_51 = arith.select %eq3A_49, %broadcast_in_dim3A_50, %get3A_42 : vector<128x8192xi1>, vector<128x8192xf32>
      %swap3A_52 = arith.constant 0 : index
      %swap3A_53 = arith.constant 0 : index
      %swap3A_54 = vector.load %arg8[%swap3A_52, %swap3A_53] : memref<128x8192xf32, #tpu.memory_space<vmem>>, vector<128x8192xf32>
      tpu.vector_store %arg8[%swap3A_52, %swap3A_53], %select_n3A_51 {strides = array<i32>} : memref<128x8192xf32, #tpu.memory_space<vmem>>, vector<128x8192xf32>,
      %eq3A_55 = vector.broadcast %scan3A_39 : i32 to vector<128x128xi32>
      %eq3A_56 = arith.cmpi eq, %iota3A_21, %eq3A_55 : vector<128x128xi32>
      %get3A_57 = arith.constant 0 : index
      %get3A_58 = arith.constant 0 : index
      %get3A_59 = vector.load %arg9[%get3A_57, %get3A_58] : memref<128x128xf32, #tpu.memory_space<vmem>>, vector<128x128xf32>
      %broadcast_in_dim3A_60 = vector.shape_cast %broadcast_in_dim3A : vector<128x1xf32> to vector<128x1xf32>
      %broadcast_in_dim3A_61 = vector.broadcast %broadcast_in_dim3A_60 : vector<128x1xf32> to vector<128x128xf32>
      %select_n3A_62 = arith.select %eq3A_56, %broadcast_in_dim3A_61, %get3A_59 : vector<128x128xi1>, vector<128x128xf32>
      %swap3A_63 = arith.constant 0 : index
      %swap3A_64 = arith.constant 0 : index
      %swap3A_65 = vector.load %arg9[%swap3A_63, %swap3A_64] : memref<128x128xf32, #tpu.memory_space<vmem>>, vector<128x128xf32>
      tpu.vector_store %arg9[%swap3A_63, %swap3A_64], %select_n3A_62 {strides = array<i32>} : memref<128x128xf32, #tpu.memory_space<vmem>>, vector<128x128xf32>,
      %eq3A_66 = vector.broadcast %scan3A_39 : i32 to vector<128x128xi32>
      %eq3A_67 = arith.cmpi eq, %iota3A_21, %eq3A_66 : vector<128x128xi32>
      %get3A_68 = arith.constant 0 : index
      %get3A_69 = arith.constant 0 : index
      %get3A_70 = vector.load %arg10[%get3A_68, %get3A_69] : memref<128x128xi32, #tpu.memory_space<vmem>>, vector<128x128xi32>
      %broadcast_in_dim3A_71 = vector.shape_cast %broadcast_in_dim3A_47 : vector<128x1xi32> to vector<128x1xi32>
      %broadcast_in_dim3A_72 = vector.broadcast %broadcast_in_dim3A_71 : vector<128x1xi32> to vector<128x128xi32>
      %select_n3A_73 = arith.select %eq3A_67, %broadcast_in_dim3A_72, %get3A_70 : vector<128x128xi1>, vector<128x128xi32>
      %swap3A_74 = arith.constant 0 : index
      %swap3A_75 = arith.constant 0 : index
      %swap3A_76 = vector.load %arg10[%swap3A_74, %swap3A_75] : memref<128x128xi32, #tpu.memory_space<vmem>>, vector<128x128xi32>
      tpu.vector_store %arg10[%swap3A_74, %swap3A_75], %select_n3A_73 {strides = array<i32>} : memref<128x128xi32, #tpu.memory_space<vmem>>, vector<128x128xi32>,
    }
    %scan3A_26 = arith.constant 100 : i32
    %get3A_27 = arith.constant 0 : index
    %get3A_28 = arith.constant 0 : index
    %get3A_29 = vector.load %arg9[%get3A_27, %get3A_28] : memref<128x128xf32, #tpu.memory_space<vmem>>, vector<128x100xf32>
    %swap3A_30 = arith.constant 0 : index
    %swap3A_31 = arith.constant 0 : index
    %swap3A_32 = vector.load %arg6[%swap3A_30, %swap3A_31] : memref<128x100xf32, #tpu.memory_space<vmem>>, vector<128x100xf32>
    tpu.vector_store %arg6[%swap3A_30, %swap3A_31], %get3A_29 {strides = array<i32>} : memref<128x100xf32, #tpu.memory_space<vmem>>, vector<128x100xf32>,
    %get3A_33 = arith.constant 0 : index
    %get3A_34 = arith.constant 0 : index
    %get3A_35 = vector.load %arg10[%get3A_33, %get3A_34] : memref<128x128xi32, #tpu.memory_space<vmem>>, vector<128x100xi32>
    %swap3A_36 = arith.constant 0 : index
    %swap3A_37 = arith.constant 0 : index
    %swap3A_38 = vector.load %arg7[%swap3A_36, %swap3A_37] : memref<128x100xi32, #tpu.memory_space<vmem>>, vector<128x100xi32>
    tpu.vector_store %arg7[%swap3A_36, %swap3A_37], %get3A_35 {strides = array<i32>} : memref<128x100xi32, #tpu.memory_space<vmem>>, vector<128x100xi32>,
    return
  }
  func.func @transform_0(%arg0: i32) -> (i32, i32) {
    %c0_i32 = arith.constant 0 : i32
    %c0_i32_0 = arith.constant 0 : i32
    return %arg0, %c0_i32 : i32, i32
  }
  func.func @transform_1(%arg0: i32) -> (i32, i32) {
    %c0_i32 = arith.constant 0 : i32
    %c0_i32_0 = arith.constant 0 : i32
    %c0_i32_1 = arith.constant 0 : i32
    return %c0_i32, %c0_i32_0 : i32, i32
  }
  func.func @transform_2(%arg0: i32) -> (i32, i32) {
    %c0_i32 = arith.constant 0 : i32
    %c0_i32_0 = arith.constant 0 : i32
    %c0_i32_1 = arith.constant 0 : i32
    return %c0_i32, %c0_i32_0 : i32, i32
  }
  func.func @transform_3(%arg0: i32) -> (i32, i32) {
    %c0_i32 = arith.constant 0 : i32
    %c0_i32_0 = arith.constant 0 : i32
    return %arg0, %c0_i32 : i32, i32
  }
  func.func @transform_4(%arg0: i32) -> (i32, i32) {
    %c0_i32 = arith.constant 0 : i32
    %c0_i32_0 = arith.constant 0 : i32
    %c0_i32_1 = arith.constant 0 : i32
    return %c0_i32, %c0_i32_0 : i32, i32
  }
  func.func @transform_5(%arg0: i32) -> (i32, i32) {
    %c0_i32 = arith.constant 0 : i32
    %c0_i32_0 = arith.constant 0 : i32
    return %arg0, %c0_i32 : i32, i32
  }
  func.func @transform_6(%arg0: i32) -> (i32, i32) {
    %c0_i32 = arith.constant 0 : i32
    %c0_i32_0 = arith.constant 0 : i32
    return %arg0, %c0_i32 : i32, i32
  }
}

</mosaic_0001>

<sc_bundles>
// kernel: kernel.6.cloned.1.call-start
scs
__scs_entry_jumppad:
0x0: {  	(pc) =	sbr.rel $0x88, $3  }
0x1: {  	(tag) =	ssettag $0x0;
	lr =	simm.s32 $0x1  }
0x2: {  	[smem:$0x3F9B] =	sst lr;
	_ =	strace $0xD0000000  }
0x3: {  	_ = 	snop  }
0x4: {  	_ = 	snop  }
0x5: {  	_ = 	snop  }
0x6: {  	_ = 	snop  }
0x7: {  	_ = 	snop  }
__scs_overlays_trampoline_lowered:
0x8: {  	[smem:$0x3FAA] =	sst s0  }
0x9: {  	[smem:$0x3FAB] =	sst s1  }
0xa: {  	[smem:$0x3FAC] =	sst s2  }
0xb: {  	[smem:$0x3FAD] =	sst s3  }
0xc: {  	[smem:$0x3FAE] =	sst s4  }
0xd: {  	[smem:$0x3FAF] =	sst s5  }
0xe: {  	[smem:$0x3FB0] =	sst s6  }
0xf: {  	[smem:$0x3FB1] =	sst s7  }
0x10: {  	[smem:$0x3FB2] =	sst s8  }
0x11: {  	[smem:$0x3FB3] =	sst s9;
	s0 =	simm.s32 @!p0 $0x0  }
0x12: {  	s1 =	sld [smem:$0x3F99];
	s0 =	simm.s32 @p0 $0x1  }
0x13: {  	[smem:$0x3FB4] =	sst s0;
	s0 =	simm.s32 @!p1 $0x0  }
0x14: {  	s2 =	sld [smem:$0x3F98];
	s0 =	simm.s32 @p1 $0x1  }
0x15: {  	[smem:$0x3FB5] =	sst s0;
	s0 =	simm.s32 @!p2 $0x0  }
0x16: {  	s3 =	sld [smem:$0x3FDB];
	s0 =	simm.s32 @p2 $0x1  }
0x17: {  	s4 =	simm.s32 $0x1BF5;
	[smem:$0x3FB7] =	sst s0  }
0x18: {  	s0 =	sld [smem:$0x3F9A];
	_ =	swait.ge [sflag:s4], $0x0  }
0x19: {  	s7 =	sld [smem:$0x3F9B]  }
0x1a: {  	s8 =	sadd.s32 $0xFFFFE003, lr  }
0x1b: {  	s9 =	sadd.s32 $0xFFFFFEF7, lr;
	s5 =	simm.s32 $0xFFFFFFFF;
	p2 =	slt.u32 s8, $0xFFFFF086  }
0x1c: {  	p1 =	slt.u32 s9, $0xF7A;
	s5 =	simm.s32 @!p2 $0x0  }
0x1d: {  	s5 =	simm.s32 @p1 $0x1;
	p0 =	seq.s32 s7, s2  }
0x1e: {  	s7 =	smul.u32 @!p0 $0xF7A, s2;
	p2 =	seq.s32 @!p0 s5, $0x0  }
0x1f: {  	s9 =	smul.u32 $0xF7A, s1;
	s8 =	simm.s32 @!p0 $0x1BF5;
	p2 =	por !p2, p0  }
0x20: {  	[sflag:s8] =	ssyncset.s32 @!p0 $0xFFFFF086;
	s6 =	sadd.s32 @!p0 s3, s7;
	s7 =	simm.s32 @!p0 $0x108  }
0x21: {  	s3 =	sadd.s32 s3, s9;
	s6 =	sadd.s32 @!p0 $0x88, s6;
	s7 =	simm.s32 @p2 $0x1082  }
0x22: {  	[simem:s7], [sflag:s8] =	dma.local @!p0 [hbm:s6], $0xF7A  }
0x23: {  	s9 =	sor.u32 $0xD0000000, s2;
	s6 =	simm.s32 $0x108;
	_ =	swait.ge @!p0 [sflag:s8], $0x0  }
0x24: {  	s3 =	sadd.s32 $0x88, s3;
	s6 =	simm.s32 @!p1 $0x1082;
	[sflag:s4] =	ssyncset.s32 $0xFFFFF086  }
0x25: {  	[simem:s6], [sflag:s4] =	dma.local [hbm:s3], $0xF7A  }
0x26: {  	[smem:$0x3F9B] =	sst s1;
	(tag) =	ssettag s2;
	_ =	strace s9  }
0x27: {  	s1 =	sld [smem:$0x3FAB]  }
0x28: {  	s2 =	sld [smem:$0x3FAC]  }
0x29: {  	s4 =	sld [smem:$0x3FAE]  }
0x2a: {  	p0 =	seq.s32 s5, $0x0;
	s5 =	sld [smem:$0x3FAF]  }
0x2b: {  	s6 =	sld [smem:$0x3FB0]  }
0x2c: {  	s7 =	sld [smem:$0x3FB1]  }
0x2d: {  	s3 =	simm.s32 $0x108;
	s8 =	sld [smem:$0x3FB2]  }
0x2e: {  	s3 =	simm.s32 @!p0 $0x1082;
	s9 =	sld [smem:$0x3FB3]  }
0x2f: {  	lr =	sadd.s32 s0, s3;
	s0 =	sld [smem:$0x3FAA]  }
0x30: {  	s3 =	sld [smem:$0x3FAD]  }
0x31: {  	[smem:$0x3FB6] =	sst s10  }
0x32: {  	s10 =	sld [smem:$0x3FB4];
	_ =	sdelay $0x3  }
0x33: {  	p0 =	seq.s32 s10, $0x1;
	s10 =	sld [smem:$0x3FB6];
	_ =	sdelay $0x3  }
0x34: {  	[smem:$0x3FB6] =	sst s10  }
0x35: {  	s10 =	sld [smem:$0x3FB5];
	_ =	sdelay $0x3  }
0x36: {  	p1 =	seq.s32 s10, $0x1;
	s10 =	sld [smem:$0x3FB6];
	_ =	sdelay $0x3  }
0x37: {  	[smem:$0x3FB6] =	sst s10  }
0x38: {  	s10 =	sld [smem:$0x3FB7]  }
0x39: {  	_ = 	snop;
	(pc) =	sbr.ind lr, $3  }
0x3a: {  	_ = 	snop  }
0x3b: {  	_ = 	snop  }
0x3c: {  	p2 =	seq.s32 s10, $0x1;
	s10 =	sld [smem:$0x3FB6]  }
0x3d: {  	_ =	shalt  }
0x3e: {  	_ =	shalt  }
0x3f: {  	_ =	shalt  }
0x40: {  	_ =	shalt  }
0x41: {  	_ =	shalt  }
0x42: {  	_ =	shalt  }
0x43: {  	_ =	shalt  }
0x44: {  	_ =	shalt  }
0x45: {  	_ =	shalt  }
0x46: {  	_ =	shalt  }
0x47: {  	_ =	shalt  }
0x48: {  	_ =	shalt  }
0x49: {  	_ =	shalt  }
0x4a: {  	_ =	shalt  }
0x4b: {  	_ =	shalt  }
0x4c: {  	_ =	shalt  }
0x4d: {  	_ =	shalt  }
0x4e: {  	_ =	shalt  }
0x4f: {  	_ =	shalt  }
0x50: {  	_ =	shalt  }
0x51: {  	_ =	shalt  }
0x52: {  	_ =	shalt  }
0x53: {  	_ =	shalt  }
0x54: {  	_ =	shalt  }
0x55: {  	_ =	shalt  }
0x56: {  	_ =	shalt  }
0x57: {  	_ =	shalt  }
0x58: {  	_ =	shalt  }
0x59: {  	_ =	shalt  }
0x5a: {  	_ =	shalt  }
0x5b: {  	_ =	shalt  }
0x5c: {  	_ =	shalt  }
0x5d: {  	_ =	shalt  }
0x5e: {  	_ =	shalt  }
0x5f: {  	_ =	shalt  }
0x60: {  	_ =	shalt  }
0x61: {  	_ =	shalt  }
0x62: {  	_ =	shalt  }
0x63: {  	_ =	shalt  }
0x64: {  	_ =	shalt  }
0x65: {  	_ =	shalt  }
0x66: {  	_ =	shalt  }
0x67: {  	_ =	shalt  }
0x68: {  	_ =	shalt  }
0x69: {  	_ =	shalt  }
0x6a: {  	_ =	shalt  }
0x6b: {  	_ =	shalt  }
0x6c: {  	_ =	shalt  }
0x6d: {  	_ =	shalt  }
0x6e: {  	_ =	shalt  }
0x6f: {  	_ =	shalt  }
0x70: {  	_ =	shalt  }
0x71: {  	_ =	shalt  }
0x72: {  	_ =	shalt  }
0x73: {  	_ =	shalt  }
0x74: {  	_ =	shalt  }
0x75: {  	_ =	shalt  }
0x76: {  	_ =	shalt  }
0x77: {  	_ =	shalt  }
0x78: {  	_ =	shalt  }
0x79: {  	_ =	shalt  }
0x7a: {  	_ =	shalt  }
0x7b: {  	_ =	shalt  }
0x7c: {  	_ =	shalt  }
0x7d: {  	_ =	shalt  }
0x7e: {  	_ =	shalt  }
0x7f: {  	_ =	shalt  }
0x80: {  	_ =	shalt  }
0x81: {  	_ =	shalt  }
0x82: {  	_ =	shalt  }
0x83: {  	_ =	shalt  }
0x84: {  	_ =	shalt  }
0x85: {  	_ =	shalt  }
0x86: {  	_ =	shalt  }
0x87: {  	_ =	shalt  }
.Lfunc_end0:
.L_simem_size_0:
called_computation_lowered:
.L_overlay_start_0:
0x88: {  	s2 =	sld [smem:$0x3FD9]  }
0x89: {  	s3 =	sld [smem:$0x3FFE];
	_ =	sdelay $0x1  }
0x8a: {  	s1 =	srdreg.scid  }
0x8b: {  	s0 =	sand.u32 $0x1, s1  }
0x8c: {  	s17 =	sshll.u32 s0, $0xA;
	s2 =	sadd.s32 s3, s2  }
0x8d: {  	s2 =	sadd.s32 s2, s17  }
0x8e: {  	[smem:$0x3FC2] =	sst s2  }
0x8f: {  	_ = 	snop  }
0x90: {  	s2 =	sld [smem:$0x3FC7]  }
0x91: {  	s18 =	sld [smem:$0x3FC6]  }
0x92: {  	s4 =	sld [smem:$0x3FC5]  }
0x93: {  	s5 =	sld [smem:$0x3FC4];
	(tm) =	ssettm $0x1  }
0x94: {  	s6 =	sld [smem:$0x3FFB];
	_ =	sdelay $0x3  }
0x95: {  	_ =	strace s6  }
0x96: {  	s6 =	sld [smem:$0x3FFC];
	_ =	sdelay $0x3  }
0x97: {  	_ =	strace s6  }
0x98: {  	s6 =	sld [smem:$0x3FFD];
	_ =	sdelay $0x3  }
0x99: {  	_ =	strace s6  }
0x9a: {  	_ =	strace $0x8FFFFFFF  }
0x9b: {  	s19 =	sld [smem:$0x3FDB];
	_ =	sdelay $0x1  }
0x9c: {  	s7 =	simm.s32 $_scs_section_size  }
0x9d: {  	s8 =	simm.s32 $_size__tile_overlayer_lowered;
	s9 =	simm.s32 $_tile_overlayer_lowered  }
0x9e: {  	s22 =	simm.s32 $0x1BFF;
	s21 =	sshll.u32 s9, $0x1;
	s6 =	sadd.s32 s7, s19  }
0x9f: {  	s10 =	simm.s32 $0x0;
	s20 =	sshll.u32 s8, $0x1;
	s8 =	sadd.s32 s21, s6  }
0xa0: {  	[timem:s10], [sflag:s22] =	dma.local [hbm:s8], s20  }
0xa1: {  	_ =	swait.ge [sflag:s22], s20  }
0xa2: {  	s7 =	ssub.s32 $0x0, s20;
	[sflag:s22] =	ssyncset.done $0x0  }
0xa3: {  	[sflag:s22] =	ssyncadd.s32 s7;
	_ =	sdelay $0x1  }
0xa4: {  	s23 =	simm.s32 $0x1B8B  }
0xa5: {  	_ =	swait.ge [sflag:s23], $0x1  }
0xa6: {  	[sflag:s23] =	ssyncset.done $0x0  }
0xa7: {  	s25 =	simm.s32 $0x1B8E;
	s24 =	sld [smem:$0x3FFE];
	[sflag:s23] =	ssyncadd.s32 $0xFFFFFFFF  }
0xa8: {  	s26 =	simm.s32 $execute0_lowered;
	[smem:$0x3FD2] =	sst s25  }
0xa9: {  	s8 =	sshll.u32 s26, $0x1;
	_ =	strace $0x80000046;
	[dreg:$0x1] =	wrdreg $0xFFFFFFFF  }
0xaa: {  	s28 =	simm.s32 $_size_execute0_lowered;
	s6 =	sadd.s32 s6, s8;
	[dreg:$0x0] =	wrdreg $0x0  }
0xab: {  	s8 =	sshll.u32 s28, $0x1;
	[dreg:$0x2] =	wrdreg s6  }
0xac: {  	[dreg:$0x3] =	wrdreg s8  }
0xad: {  	[dreg:$0x4] =	wrdreg $0xC0  }
0xae: {  	_ =	task [dreg:s10], $0x5FFFF  }
0xaf: {  	[dreg:$0x1] =	wrdreg $0xFFFFFFFF  }
0xb0: {  	[dreg:$0x0] =	wrdreg $0x60  }
0xb1: {  	[dreg:$0x2] =	wrdreg s2  }
0xb2: {  	[dreg:$0x3] =	wrdreg s18  }
0xb3: {  	[dreg:$0x4] =	wrdreg s4  }
0xb4: {  	[dreg:$0x5] =	wrdreg s5  }
0xb5: {  	[dreg:$0x6] =	wrdreg s24  }
0xb6: {  	[dreg:$0x7] =	wrdreg $0x9  }
0xb7: {  	_ =	task.clear_ibuf [dreg:s10], $0x8FFFF;
	_ =	strace $0x90000046  }
0xb8: {  	s29 =	simm.s32 $0x9;
	_ =	strace $0x80000048  }
0xb9: {  	_ =	swait.ge [sflag:s29], $0x1  }
0xba: {  	[sflag:s29] =	ssyncadd.s32 $0xFFFFFFFF  }
0xbb: {  	_ =	strace $0x90000048  }
0xbc: {  	_ =	sfence  }
0xbd: {  	s30 =	sld [smem:$0x0];
	_ =	sdelay $0x2  }
0xbe: {  	s31 =	sshll.u32 s1, $0xD;
	s1 =	sshrl.u32 s1, $0x2  }
0xbf: {  	s3 =	sand.u32 $0x4000, s31;
	s1 =	sadd.s32 s1, s30  }
0xc0: {  	s0 =	sor.u32 s3, s0;
	s1 =	sshll.u32 s1, $0x11  }
0xc1: {  	s0 =	sor.u32 s1, s0  }
0xc2: {  	s0 =	sadd.s32 $0x8F2B, s0  }
0xc3: {  	[sflag:s0] =	ssyncadd.remote.s32 $0x1  }
0xc4: {  	_ =	sfence.sel $0xFFFF  }
0xc5: {  	[dreg:$0x0] =	wrdreg $0xFFFFFFFF;
	(pc) =	sbr.abs _section_cstart, $3  }
0xc6: {  	[dreg:$0x1] =	wrdreg $0xFFFFFFFF  }
0xc7: {  	_ =	task.clear_ibuf [dreg:s10], $0x2FFFF;
	_ =	strace $0x9FFFFFFF  }
0xc8: {  	(tm) =	ssettm $0x7FFFFFFF  }
0xc9: {  	_ =	shalt  }
tec
execute0_lowered:
.L_overlay_start_1:
0x0: {  	(tag) =	ssettag $0x1  }
0x1: {  	s1 =	rddreg [dreg:$0x0]  }
0x2: {  	s2 =	rddreg [dreg:$0x1]  }
0x3: {  	s5 =	rddreg [dreg:$0x2];
	s3 =	srdreg.scid  }
0x4: {  	s7 =	rddreg [dreg:$0x3];
	s0 =	stileid.u32;
	s16 =	sand.u32 $0x1, s3  }
0x5: {  	s13 =	rddreg [dreg:$0x4];
	s6 =	sshll.u32 s0, $0x9;
	s8 =	sshll.u32 s16, $0x8  }
0x6: {  	s4 =	simm.s32 $0x0;
	s3 =	rddreg [dreg:$0x5];
	s14 =	sor.u32 s8, s6  }
0x7: {  	[smem:$0x7FF] =	sst s4;
	s8 =	sshrl.u32 s14, $0x3  }
0x8: {  	_ =	strace $0x80000047;
	s6 =	sadd.s32 s5, s8;
	s5 =	simm.s32 $0x4  }
0x9: {  	[tilespmem:s4], [sflag:$0x4] =	stream.linear.gather [hbm4b:s6+s4], $0x100, $0x38;
	[tilespmem:$0x18200] =	vst v63  }
0xa: {  	_ =	swait.ge [sflag:s5], $0x100  }
0xb: {  	[sflag:s5] =	ssyncset.done $0x0  }
0xc: {  	s7 =	sadd.s32 s7, s8;
	s8 =	simm.s32 $0x100;
	[sflag:s5] =	ssyncadd.s32 $0xFFFFFF00  }
0xd: {  	[tilespmem:s8], [sflag:$0x4] =	stream.linear.gather [hbm4b:s7+s4], $0x100, $0x38;
	[tilespmem:$0x18200] =	vst v63  }
0xe: {  	_ =	swait.ge [sflag:s5], $0x100  }
0xf: {  	[sflag:s5] =	ssyncset.done $0x0  }
0x10: {  	s9 =	simm.s32 $0x200;
	[sflag:s5] =	ssyncadd.s32 $0xFFFFFF00  }
0x11: {  	[tilespmem:s9], [sflag:$0x1] =	stream.indirect.gather [hbm4b:s1+s8], $0x80, s4, s8, $0xb8;
	[tilespmem:$0x18200] =	vst v63  }
0x12: {  	s10 =	simm.s32 $0x8200  }
0x13: {  	[tilespmem:s10], [sflag:$0x2] =	stream.indirect.gather [hbm4b:s1+s8], $0x80, s8, s8, $0xb8;
	[tilespmem:$0x18200] =	vst v63  }
0x14: {  	s11 =	simm.s32 $0x10200;
	s12 =	simm.s32 $0x1  }
0x15: {  	[tilespmem:s11], [sflag:$0x3] =	stream.indirect.gather [hbm4b:s2+s8], $0x80, s8, s8, $0xb8;
	[tilespmem:$0x18200] =	vst v63  }
0x16: {  	s14 =	sshll.u32 s14, $0x4;
	_ =	swait.ge [sflag:s12], $0x8000  }
0x17: {  	s13 =	sadd.s32 s13, s14;
	[sflag:s12] =	ssyncset.done $0x0  }
0x18: {  	s14 =	sadd.s32 $0x20000, s13;
	[sflag:s12] =	ssyncadd.s32 $0xFFFF8000  }
0x19: {  	[hbm4b:s14+s4] =	stream.linear.scatter [tilespmem:s9], [sflag:$0x4], $0x8000, $0x38;
	[tilespmem:$0x18200] =	vst v63  }
0x1a: {  	_ =	swait.ge [sflag:s5], $0x8000  }
0x1b: {  	[sflag:s5] =	ssyncset.done $0x0  }
0x1c: {  	s15 =	simm.s32 $0x2;
	[sflag:s5] =	ssyncadd.s32 $0xFFFF8000  }
0x1d: {  	_ =	swait.ge [sflag:s15], $0x8000  }
0x1e: {  	[sflag:s15] =	ssyncset.done $0x0  }
0x1f: {  	s17 =	ssub.s32 $0x2, s16;
	[sflag:s15] =	ssyncadd.s32 $0xFFFF8000  }
0x20: {  	[hbm4b:s13+s4] =	stream.linear.scatter [tilespmem:s10], [sflag:$0x4], $0x8000, $0x38;
	[tilespmem:$0x18200] =	vst v63  }
0x21: {  	s18 =	sshrl.u32 s17, $0x1;
	_ =	swait.ge [sflag:s5], $0x8000  }
0x22: {  	s18 =	ssub.s32 s17, s18;
	[sflag:s5] =	ssyncset.done $0x0  }
0x23: {  	s16 =	simm.s32 $0x3;
	s18 =	smax.u32 s18, $0x1;
	[sflag:s5] =	ssyncadd.s32 $0xFFFF8000  }
0x24: {  	p0 =	sne.s32 s18, $0x1;
	_ =	swait.ge [sflag:s16], $0x8000  }
.Ltmp0:
0x25: {  	[sflag:s16] =	ssyncset.done $0x0;
	(pc) =	sbr.rel @!p0 .LBB2_2-.Ltmp0, $4  }
0x26: {  	s17 =	sadd.s32 $0x40000, s13;
	[sflag:s16] =	ssyncadd.s32 $0xFFFF8000  }
0x27: {  	[hbm4b:s17+s4] =	stream.linear.scatter [tilespmem:s11], [sflag:$0x4], $0x8000, $0x38;
	[tilespmem:$0x18200] =	vst v63  }
0x28: {  	_ =	swait.ge [sflag:s5], $0x8000  }
0x29: {  	s18 =	sadd.s32 $0xFFFFFFFF, s18;
	[sflag:s5] =	ssyncset.done $0x0  }
.LBB2_1:
0x2a: {  	p0 =	sne.s32 s18, $0x1;
	s18 =	sadd.s32 $0xFFFFFFFF, s18;
	[sflag:s5] =	ssyncadd.s32 $0xFFFF8000  }
0x2b: {  	[tilespmem:s4], [sflag:$0x4] =	stream.linear.gather [hbm4b:s6+s4], $0x100, $0x38;
	[tilespmem:$0x18200] =	vst v63  }
0x2c: {  	_ =	swait.ge [sflag:s5], $0x100  }
0x2d: {  	[sflag:s5] =	ssyncset.done $0x0  }
0x2e: {  	[sflag:s5] =	ssyncadd.s32 $0xFFFFFF00  }
0x2f: {  	[tilespmem:s8], [sflag:$0x4] =	stream.linear.gather [hbm4b:s7+s4], $0x100, $0x38;
	[tilespmem:$0x18200] =	vst v63  }
0x30: {  	_ =	swait.ge [sflag:s5], $0x100  }
0x31: {  	[sflag:s5] =	ssyncset.done $0x0  }
0x32: {  	[sflag:s5] =	ssyncadd.s32 $0xFFFFFF00  }
0x33: {  	[tilespmem:s9], [sflag:$0x1] =	stream.indirect.gather [hbm4b:s1+s8], $0x80, s4, s8, $0xb8;
	[tilespmem:$0x18200] =	vst v63  }
0x34: {  	_ = 	snop  }
0x35: {  	[tilespmem:s10], [sflag:$0x2] =	stream.indirect.gather [hbm4b:s1+s8], $0x80, s8, s8, $0xb8;
	[tilespmem:$0x18200] =	vst v63  }
0x36: {  	_ = 	snop  }
0x37: {  	[tilespmem:s11], [sflag:$0x3] =	stream.indirect.gather [hbm4b:s2+s8], $0x80, s8, s8, $0xb8;
	[tilespmem:$0x18200] =	vst v63  }
0x38: {  	_ =	swait.ge [sflag:s12], $0x8000  }
0x39: {  	[sflag:s12] =	ssyncset.done $0x0  }
0x3a: {  	[sflag:s12] =	ssyncadd.s32 $0xFFFF8000  }
0x3b: {  	[hbm4b:s14+s4] =	stream.linear.scatter [tilespmem:s9], [sflag:$0x4], $0x8000, $0x38;
	[tilespmem:$0x18200] =	vst v63  }
0x3c: {  	_ =	swait.ge [sflag:s5], $0x8000  }
0x3d: {  	[sflag:s5] =	ssyncset.done $0x0  }
0x3e: {  	[sflag:s5] =	ssyncadd.s32 $0xFFFF8000  }
0x3f: {  	_ =	swait.ge [sflag:s15], $0x8000  }
0x40: {  	[sflag:s15] =	ssyncset.done $0x0  }
0x41: {  	[sflag:s15] =	ssyncadd.s32 $0xFFFF8000  }
0x42: {  	[hbm4b:s13+s4] =	stream.linear.scatter [tilespmem:s10], [sflag:$0x4], $0x8000, $0x38;
	[tilespmem:$0x18200] =	vst v63  }
0x43: {  	_ =	swait.ge [sflag:s5], $0x8000  }
0x44: {  	[sflag:s5] =	ssyncset.done $0x0  }
0x45: {  	[sflag:s5] =	ssyncadd.s32 $0xFFFF8000  }
0x46: {  	_ =	swait.ge [sflag:s16], $0x8000  }
.Ltmp1:
0x47: {  	[sflag:s16] =	ssyncset.done $0x0;
	(pc) =	sbr.rel @p0 .LBB2_1-.Ltmp1, $4  }
0x48: {  	[sflag:s16] =	ssyncadd.s32 $0xFFFF8000  }
0x49: {  	[hbm4b:s17+s4] =	stream.linear.scatter [tilespmem:s11], [sflag:$0x4], $0x8000, $0x38;
	[tilespmem:$0x18200] =	vst v63  }
0x4a: {  	_ =	swait.ge [sflag:s5], $0x8000  }
0x4b: {  	[sflag:s5] =	ssyncset.done $0x0  }
.LBB2_2:
0x4c: {  	[sflag:s5] =	ssyncadd.s32 $0xFFFF8000  }
0x4d: {  	_ =	sfence.sel $0x180000  }
0x4e: {  	[bflag:$0x0] =	sbarrier.arrive $0xFFFF  }
0x4f: {  	p0 =	sne.s32 s0, $0x0;
	_ =	strace $0x90000047  }
0x50: {  	s0 =	sadd.s32 @!p0 $0x100000, s3;
	[bflag:$0x2] =	sbarrier.arrive $0xFFFF  }
0x51: {  	[sflag:s0] =	ssyncadd.tile.s32 @!p0 $0x1;
	_ =	shalt  }
.Lfunc_end2:
_tile_overlayer_lowered:
.L_overlay_start_2:
0x52: {  	(tag) =	ssettag $0x2  }
0x53: {  	s0 =	rddreg [dreg:$0x0];
	s2 =	stileid.u32  }
0x54: {  	s1 =	rddreg [dreg:$0x1];
	p0 =	sne.s32 s2, $0x0  }
0x55: {  	s3 =	rddreg [dreg:$0x2];
	[bflag:$0x3] =	sbarrier.arrive $0xFFFF;
	s2 =	simm.s32 @!p0 $0x1C04  }
0x56: {  	[timem:s3], [sflag:s2] =	dma.local @!p0 [hbm:s0], s1  }
0x57: {  	s0 =	simm.s32 @!p0 $0x4  }
0x58: {  	_ =	swait.ge @!p0 [sflag:s0], s1  }
0x59: {  	s1 =	ssub.s32 @!p0 $0x0, s1;
	[sflag:s0] =	ssyncset.done @!p0 $0x0  }
0x5a: {  	[sflag:s0] =	ssyncadd.s32 @!p0 s1  }
0x5b: {  	[bflag:$0x3] =	sbarrier.arrive $0xFFFF  }
0x5c: {  	_ =	shalt  }

</sc_bundles>
